<compile_context>
chip_gen: v7x
topology: tpu7x:2x2x1
jax: 0.10.2.dev20260603
libtpu: 0.0.44.dev20260713+nightly
codegen_flags: <defaults>
</compile_context>

<pallas_src>
import jax
import jax.numpy as jnp
from jax import lax
from jax.experimental import pallas as pl
from jax.experimental.pallas import tpu as pltpu
from jax.experimental.pallas import tpu_sc as plsc

B = 4096
EMB = 64
H1, H2 = 256, 128
NC, NS = 2, 16
NW = NC * NS
BPW = B // NW


def _sc_gather_body(idx_hbm, table2_hbm, out_hbm, idx_v, sup_v, rows_v, sem):
    wid = lax.axis_index("s") * NC + lax.axis_index("c")
    base = wid * BPW
    pltpu.sync_copy(idx_hbm.at[pl.ds(base, BPW)], idx_v)
    for j in range(BPW // 16):
        v = idx_v[pl.ds(j * 16, 16)]
        sup_v[pl.ds(j * 16, 16)] = lax.shift_right_logical(v, 1)
    pltpu.async_copy(table2_hbm.at[sup_v], rows_v, sem).wait()
    pltpu.sync_copy(rows_v, out_hbm.at[pl.ds(base, BPW)])


def _sc_gather(idx, table2):
    mesh = plsc.VectorSubcoreMesh(core_axis_name="c", subcore_axis_name="s")
    return pl.kernel(
        _sc_gather_body,
        mesh=mesh,
        out_type=jax.ShapeDtypeStruct((B, 2 * EMB), jnp.float32),
        compiler_params=pltpu.CompilerParams(use_tc_tiling_on_sc=False),
        scratch_types=[
            pltpu.VMEM((BPW,), jnp.int32),
            pltpu.VMEM((BPW,), jnp.int32),
            pltpu.VMEM((BPW, 2 * EMB), jnp.float32),
            pltpu.SemaphoreType.DMA,
        ],
    )(idx, table2)


def _mlp_body(x2, ids, sec, stg, reg, nums,
              sec_t, stg_t, reg_t,
              w1, b1, g1, beta1, w2, b2, g2, beta2, out):
    f32 = jnp.float32

    odd = lax.bitwise_and(ids[...], 1).reshape(B, 1)
    x2v = x2[...]
    id_emb = jnp.where(odd == 1, x2v[:, EMB:2 * EMB], x2v[:, 0:EMB])

    sec2 = sec[...].reshape(B, 1)
    stg2 = stg[...].reshape(B, 1)
    reg2 = reg[...].reshape(B, 1)

    sec_oh = (sec2 == lax.broadcasted_iota(jnp.int32, (B, 32), 1)).astype(f32)
    stg_oh = (stg2 == lax.broadcasted_iota(jnp.int32, (B, 16), 1)).astype(f32)
    reg_oh = (reg2 == lax.broadcasted_iota(jnp.int32, (B, 24), 1)).astype(f32)

    w1v = w1[...]
    sec_w = jnp.dot(sec_t[...], w1v[64:80], preferred_element_type=f32)
    stg_w = jnp.dot(stg_t[...], w1v[80:96], preferred_element_type=f32)
    reg_w = jnp.dot(reg_t[...], w1v[96:112], preferred_element_type=f32)

    h = (jnp.dot(id_emb, w1v[0:64], preferred_element_type=f32)
         + jnp.dot(sec_oh, sec_w, preferred_element_type=f32)
         + jnp.dot(stg_oh, stg_w, preferred_element_type=f32)
         + jnp.dot(reg_oh, reg_w, preferred_element_type=f32)
         + jnp.dot(nums[...], w1v[112:118], preferred_element_type=f32)
         + b1[...])
    h = jnp.maximum(h, 0.0)
    mu = jnp.mean(h, axis=0, keepdims=True)
    var = jnp.mean((h - mu) ** 2, axis=0, keepdims=True)
    h = g1[...] * (h - mu) * lax.rsqrt(var + 1e-5) + beta1[...]

    h = jnp.dot(h, w2[...], preferred_element_type=f32) + b2[...]
    h = jnp.maximum(h, 0.0)
    mu2 = jnp.mean(h, axis=0, keepdims=True)
    var2 = jnp.mean((h - mu2) ** 2, axis=0, keepdims=True)
    h = g2[...] * (h - mu2) * lax.rsqrt(var2 + 1e-5) + beta2[...]

    norm = jnp.sqrt(jnp.sum(h * h, axis=1, keepdims=True))
    out[...] = h / jnp.maximum(norm, 1e-12)


def kernel(id, sector, stage, region, deal_size, revenue_multiple,
           growth_rate, profitability, team_experience, market_size,
           deal_table, sector_table, stage_table, region_table,
           W1, b1, g1, beta1, W2, b2, g2, beta2):
    f32 = jnp.float32
    idx = id.astype(jnp.int32)
    x2 = _sc_gather(idx, deal_table.reshape(50000, 2 * EMB))
    nums = jnp.stack([deal_size, revenue_multiple, growth_rate, profitability,
                      team_experience, market_size], axis=-1)
    return pl.pallas_call(
        _mlp_body,
        out_shape=jax.ShapeDtypeStruct((B, H2), f32),
    )(x2, idx, sector.astype(jnp.int32), stage.astype(jnp.int32),
      region.astype(jnp.int32), nums, sector_table, stage_table, region_table,
      W1, b1, g1, beta1, W2, b2, g2, beta2)

# --- scband reference (transcript-rebuilt; emitter-appended) ---
"""Pipeline reference for scband-deal-tower-5334349381767 (READ-ONLY COPY).

The authoritative reference and input builder live on the scoring server;
editing this copy changes nothing except your own understanding.
"""

import jax, jax.numpy as jnp
import numpy as np

B = 4096
N_DEALS = 100000
EMB = 64
H1, H2 = 256, 128
IN_DIM = EMB + 16 + 16 + 16 + 6

def _xavier(k, shape):
    fan_in, fan_out = shape[0], shape[1]
    limit = float(np.sqrt(6.0 / (fan_in + fan_out)))
    return jax.random.uniform(k, shape, dtype=jnp.float32, minval=-limit, maxval=limit)

def setup_inputs(seed: int = 0) -> dict:
    key = jax.random.key(seed)
    ks = jax.random.split(key, 20)
    inp = {}
    inp['id'] = jax.random.randint(ks[0], (B,), 0, N_DEALS)
    inp['sector'] = jax.random.randint(ks[1], (B,), 0, 32)
    inp['stage'] = jax.random.randint(ks[2], (B,), 0, 16)
    inp['region'] = jax.random.randint(ks[3], (B,), 0, 24)
    names = ['deal_size', 'revenue_multiple', 'growth_rate', 'profitability', 'team_experience', 'market_size']
    for i, name in enumerate(names):
        inp[name] = jax.random.normal(ks[4 + i], (B,), dtype=jnp.float32)
    inp['deal_table'] = _xavier(ks[10], (N_DEALS, EMB))
    inp['sector_table'] = _xavier(ks[11], (32, 16))
    inp['stage_table'] = _xavier(ks[12], (16, 16))
    inp['region_table'] = _xavier(ks[13], (24, 16))
    inp['W1'] = _xavier(ks[14], (IN_DIM, H1))
    inp['b1'] = jnp.zeros((H1,), dtype=jnp.float32)
    inp['g1'] = jnp.ones((H1,), dtype=jnp.float32)
    inp['beta1'] = jnp.zeros((H1,), dtype=jnp.float32)
    inp['W2'] = _xavier(ks[15], (H1, H2))
    inp['b2'] = jnp.zeros((H2,), dtype=jnp.float32)
    inp['g2'] = jnp.ones((H2,), dtype=jnp.float32)
    inp['beta2'] = jnp.zeros((H2,), dtype=jnp.float32)
    return inp

def _batchnorm(x, gamma, beta, eps=1e-5):
    mu = jnp.mean(x, axis=0, keepdims=True)
    var = jnp.var(x, axis=0, keepdims=True)
    return gamma * (x - mu) / jnp.sqrt(var + eps) + beta

def reference(id, sector, stage, region, deal_size, revenue_multiple, growth_rate, profitability, team_experience, market_size, deal_table, sector_table, stage_table, region_table, W1, b1, g1, beta1, W2, b2, g2, beta2):
    id_emb = jnp.take(deal_table, id, axis=0)
    sector_emb = jnp.take(sector_table, sector, axis=0)
    stage_emb = jnp.take(stage_table, stage, axis=0)
    region_emb = jnp.take(region_table, region, axis=0)
    numerical = jnp.stack([deal_size, revenue_multiple, growth_rate, profitability, team_experience, market_size], axis=-1)
    x = jnp.concatenate([id_emb, sector_emb, stage_emb, region_emb, numerical], axis=-1)
    h = jnp.dot(x, W1) + b1
    h = jax.nn.relu(h)
    h = _batchnorm(h, g1, beta1)
    h = jnp.dot(h, W2) + b2
    h = jax.nn.relu(h)
    h = _batchnorm(h, g2, beta2)
    norm = jnp.linalg.norm(h, axis=-1, keepdims=True)
    return h / jnp.maximum(norm, 1e-12)

if __name__ == "__main__":
    import jax
    _d = setup_inputs()
    print(jax.jit(kernel)(*tuple(_d.values())))

</pallas_src>

<mosaic_0001>
#map = affine_map<(d0, d1) -> (0)>
#map1 = affine_map<(d0, d1) -> (0, 0)>
module attributes {stable_mosaic.version = 14 : i64} {
  func.func @_sc_gather_body(%arg0: i32, %arg1: i32, %arg2: memref<4096xi32, #tpu.memory_space<hbm>>, %arg3: memref<50000x128xf32, #tpu.memory_space<hbm>>, %arg4: memref<4096x128xf32, #tpu.memory_space<hbm>>, %arg5: memref<128xi32, #tpu.memory_space<vmem>>, %arg6: memref<128xi32, #tpu.memory_space<vmem>>, %arg7: memref<128x128xf32, #tpu.memory_space<vmem>>, %arg8: memref<!tpu.dma_semaphore, #tpu.memory_space<semaphore_mem>>) attributes {dimension_semantics = [#tpu.dimension_semantics<core_parallel>, #tpu.dimension_semantics<subcore_parallel>], iteration_bounds = array<i64: 2, 16>, scalar_prefetch = 0 : i64, scratch_operands = 4 : i64, tpu.core_type = #tpu.core_type<sc_vector_subcore>, window_params = [{transform_indices = #map}, {transform_indices = #map1}, {transform_indices = #map1}]} {
    %mul3A = arith.constant 2 : i32
    %mul3A_0 = arith.muli %arg1, %mul3A : i32
    %add3A = arith.addi %mul3A_0, %arg0 : i32
    %mul3A_1 = arith.constant 128 : i32
    %mul3A_2 = arith.muli %add3A, %mul3A_1 : i32
    "tpu.region"() ({
      %run_scoped3A = tpu.sem_alloc : memref<!tpu.dma_semaphore, #tpu.memory_space<semaphore_mem>>
      %dma_start3A_84 = tpu.memref_slice %arg2[%mul3A_2] : memref<4096xi32, #tpu.memory_space<hbm>> -> memref<128xi32, #tpu.memory_space<hbm>>
      %dma_start3A_85 = tpu.memref_slice %arg2[%mul3A_2] : memref<4096xi32, #tpu.memory_space<hbm>> -> memref<128xi32, #tpu.memory_space<hbm>>
      tpu.enqueue_dma source(%dma_start3A_85 : memref<128xi32, #tpu.memory_space<hbm>>) target(%arg5 : memref<128xi32, #tpu.memory_space<vmem>>) target_semaphore(%run_scoped3A : memref<!tpu.dma_semaphore, #tpu.memory_space<semaphore_mem>>)
      %dma_wait3A_86 = tpu.memref_slice %arg2[%mul3A_2] : memref<4096xi32, #tpu.memory_space<hbm>> -> memref<128xi32, #tpu.memory_space<hbm>>
      %dma_wait3A_87 = tpu.memref_slice %arg2[%mul3A_2] : memref<4096xi32, #tpu.memory_space<hbm>> -> memref<128xi32, #tpu.memory_space<hbm>>
      tpu.wait_dma2 semaphore(%run_scoped3A : memref<!tpu.dma_semaphore, #tpu.memory_space<semaphore_mem>>) src(%dma_wait3A_87 : memref<128xi32, #tpu.memory_space<hbm>>) dst(%arg5 : memref<128xi32, #tpu.memory_space<vmem>>)
      tpu.yield
    }) : () -> ()
    %get3A = arith.constant 0 : index
    %get3A_3 = tpu.vector_load %arg5[%get3A] {strides = array<i32>} : memref<128xi32, #tpu.memory_space<vmem>>, vector<16xi32>,
    %get3A_4 = vector.shape_cast %get3A_3 : vector<16xi32> to vector<16xi32>
    %shift_right_logical3A = arith.constant 1 : i32
    %shift_right_logical3A_5 = vector.broadcast %shift_right_logical3A : i32 to vector<16xi32>
    %shift_right_logical3A_6 = arith.shrui %get3A_4, %shift_right_logical3A_5 : vector<16xi32>
    %swap3A = arith.constant 0 : index
    %swap3A_7 = tpu.vector_load %arg6[%swap3A] {strides = array<i32>} : memref<128xi32, #tpu.memory_space<vmem>>, vector<16xi32>,
    %swap3A_8 = vector.shape_cast %swap3A_7 : vector<16xi32> to vector<16xi32>
    %swap3A_9 = vector.shape_cast %shift_right_logical3A_6 : vector<16xi32> to vector<16xi32>
    tpu.vector_store %arg6[%swap3A], %swap3A_9 {strides = array<i32>} : memref<128xi32, #tpu.memory_space<vmem>>, vector<16xi32>,
    %get3A_10 = arith.constant 16 : index
    %get3A_11 = tpu.vector_load %arg5[%get3A_10] {strides = array<i32>} : memref<128xi32, #tpu.memory_space<vmem>>, vector<16xi32>,
    %get3A_12 = vector.shape_cast %get3A_11 : vector<16xi32> to vector<16xi32>
    %shift_right_logical3A_13 = arith.constant 1 : i32
    %shift_right_logical3A_14 = vector.broadcast %shift_right_logical3A_13 : i32 to vector<16xi32>
    %shift_right_logical3A_15 = arith.shrui %get3A_12, %shift_right_logical3A_14 : vector<16xi32>
    %swap3A_16 = arith.constant 16 : index
    %swap3A_17 = tpu.vector_load %arg6[%swap3A_16] {strides = array<i32>} : memref<128xi32, #tpu.memory_space<vmem>>, vector<16xi32>,
    %swap3A_18 = vector.shape_cast %swap3A_17 : vector<16xi32> to vector<16xi32>
    %swap3A_19 = vector.shape_cast %shift_right_logical3A_15 : vector<16xi32> to vector<16xi32>
    tpu.vector_store %arg6[%swap3A_16], %swap3A_19 {strides = array<i32>} : memref<128xi32, #tpu.memory_space<vmem>>, vector<16xi32>,
    %get3A_20 = arith.constant 32 : index
    %get3A_21 = tpu.vector_load %arg5[%get3A_20] {strides = array<i32>} : memref<128xi32, #tpu.memory_space<vmem>>, vector<16xi32>,
    %get3A_22 = vector.shape_cast %get3A_21 : vector<16xi32> to vector<16xi32>
    %shift_right_logical3A_23 = arith.constant 1 : i32
    %shift_right_logical3A_24 = vector.broadcast %shift_right_logical3A_23 : i32 to vector<16xi32>
    %shift_right_logical3A_25 = arith.shrui %get3A_22, %shift_right_logical3A_24 : vector<16xi32>
    %swap3A_26 = arith.constant 32 : index
    %swap3A_27 = tpu.vector_load %arg6[%swap3A_26] {strides = array<i32>} : memref<128xi32, #tpu.memory_space<vmem>>, vector<16xi32>,
    %swap3A_28 = vector.shape_cast %swap3A_27 : vector<16xi32> to vector<16xi32>
    %swap3A_29 = vector.shape_cast %shift_right_logical3A_25 : vector<16xi32> to vector<16xi32>
    tpu.vector_store %arg6[%swap3A_26], %swap3A_29 {strides = array<i32>} : memref<128xi32, #tpu.memory_space<vmem>>, vector<16xi32>,
    %get3A_30 = arith.constant 48 : index
    %get3A_31 = tpu.vector_load %arg5[%get3A_30] {strides = array<i32>} : memref<128xi32, #tpu.memory_space<vmem>>, vector<16xi32>,
    %get3A_32 = vector.shape_cast %get3A_31 : vector<16xi32> to vector<16xi32>
    %shift_right_logical3A_33 = arith.constant 1 : i32
    %shift_right_logical3A_34 = vector.broadcast %shift_right_logical3A_33 : i32 to vector<16xi32>
    %shift_right_logical3A_35 = arith.shrui %get3A_32, %shift_right_logical3A_34 : vector<16xi32>
    %swap3A_36 = arith.constant 48 : index
    %swap3A_37 = tpu.vector_load %arg6[%swap3A_36] {strides = array<i32>} : memref<128xi32, #tpu.memory_space<vmem>>, vector<16xi32>,
    %swap3A_38 = vector.shape_cast %swap3A_37 : vector<16xi32> to vector<16xi32>
    %swap3A_39 = vector.shape_cast %shift_right_logical3A_35 : vector<16xi32> to vector<16xi32>
    tpu.vector_store %arg6[%swap3A_36], %swap3A_39 {strides = array<i32>} : memref<128xi32, #tpu.memory_space<vmem>>, vector<16xi32>,
    %get3A_40 = arith.constant 64 : index
    %get3A_41 = tpu.vector_load %arg5[%get3A_40] {strides = array<i32>} : memref<128xi32, #tpu.memory_space<vmem>>, vector<16xi32>,
    %get3A_42 = vector.shape_cast %get3A_41 : vector<16xi32> to vector<16xi32>
    %shift_right_logical3A_43 = arith.constant 1 : i32
    %shift_right_logical3A_44 = vector.broadcast %shift_right_logical3A_43 : i32 to vector<16xi32>
    %shift_right_logical3A_45 = arith.shrui %get3A_42, %shift_right_logical3A_44 : vector<16xi32>
    %swap3A_46 = arith.constant 64 : index
    %swap3A_47 = tpu.vector_load %arg6[%swap3A_46] {strides = array<i32>} : memref<128xi32, #tpu.memory_space<vmem>>, vector<16xi32>,
    %swap3A_48 = vector.shape_cast %swap3A_47 : vector<16xi32> to vector<16xi32>
    %swap3A_49 = vector.shape_cast %shift_right_logical3A_45 : vector<16xi32> to vector<16xi32>
    tpu.vector_store %arg6[%swap3A_46], %swap3A_49 {strides = array<i32>} : memref<128xi32, #tpu.memory_space<vmem>>, vector<16xi32>,
    %get3A_50 = arith.constant 80 : index
    %get3A_51 = tpu.vector_load %arg5[%get3A_50] {strides = array<i32>} : memref<128xi32, #tpu.memory_space<vmem>>, vector<16xi32>,
    %get3A_52 = vector.shape_cast %get3A_51 : vector<16xi32> to vector<16xi32>
    %shift_right_logical3A_53 = arith.constant 1 : i32
    %shift_right_logical3A_54 = vector.broadcast %shift_right_logical3A_53 : i32 to vector<16xi32>
    %shift_right_logical3A_55 = arith.shrui %get3A_52, %shift_right_logical3A_54 : vector<16xi32>
    %swap3A_56 = arith.constant 80 : index
    %swap3A_57 = tpu.vector_load %arg6[%swap3A_56] {strides = array<i32>} : memref<128xi32, #tpu.memory_space<vmem>>, vector<16xi32>,
    %swap3A_58 = vector.shape_cast %swap3A_57 : vector<16xi32> to vector<16xi32>
    %swap3A_59 = vector.shape_cast %shift_right_logical3A_55 : vector<16xi32> to vector<16xi32>
    tpu.vector_store %arg6[%swap3A_56], %swap3A_59 {strides = array<i32>} : memref<128xi32, #tpu.memory_space<vmem>>, vector<16xi32>,
    %get3A_60 = arith.constant 96 : index
    %get3A_61 = tpu.vector_load %arg5[%get3A_60] {strides = array<i32>} : memref<128xi32, #tpu.memory_space<vmem>>, vector<16xi32>,
    %get3A_62 = vector.shape_cast %get3A_61 : vector<16xi32> to vector<16xi32>
    %shift_right_logical3A_63 = arith.constant 1 : i32
    %shift_right_logical3A_64 = vector.broadcast %shift_right_logical3A_63 : i32 to vector<16xi32>
    %shift_right_logical3A_65 = arith.shrui %get3A_62, %shift_right_logical3A_64 : vector<16xi32>
    %swap3A_66 = arith.constant 96 : index
    %swap3A_67 = tpu.vector_load %arg6[%swap3A_66] {strides = array<i32>} : memref<128xi32, #tpu.memory_space<vmem>>, vector<16xi32>,
    %swap3A_68 = vector.shape_cast %swap3A_67 : vector<16xi32> to vector<16xi32>
    %swap3A_69 = vector.shape_cast %shift_right_logical3A_65 : vector<16xi32> to vector<16xi32>
    tpu.vector_store %arg6[%swap3A_66], %swap3A_69 {strides = array<i32>} : memref<128xi32, #tpu.memory_space<vmem>>, vector<16xi32>,
    %get3A_70 = arith.constant 112 : index
    %get3A_71 = tpu.vector_load %arg5[%get3A_70] {strides = array<i32>} : memref<128xi32, #tpu.memory_space<vmem>>, vector<16xi32>,
    %get3A_72 = vector.shape_cast %get3A_71 : vector<16xi32> to vector<16xi32>
    %shift_right_logical3A_73 = arith.constant 1 : i32
    %shift_right_logical3A_74 = vector.broadcast %shift_right_logical3A_73 : i32 to vector<16xi32>
    %shift_right_logical3A_75 = arith.shrui %get3A_72, %shift_right_logical3A_74 : vector<16xi32>
    %swap3A_76 = arith.constant 112 : index
    %swap3A_77 = tpu.vector_load %arg6[%swap3A_76] {strides = array<i32>} : memref<128xi32, #tpu.memory_space<vmem>>, vector<16xi32>,
    %swap3A_78 = vector.shape_cast %swap3A_77 : vector<16xi32> to vector<16xi32>
    %swap3A_79 = vector.shape_cast %shift_right_logical3A_75 : vector<16xi32> to vector<16xi32>
    tpu.vector_store %arg6[%swap3A_76], %swap3A_79 {strides = array<i32>} : memref<128xi32, #tpu.memory_space<vmem>>, vector<16xi32>,
    %dma_start3A = arith.constant 0 : i32
    %dma_start3A_80 = arith.constant 0 : i32
    %dma_start3A_81 = tpu.memref_slice %arg3[%dma_start3A, %dma_start3A_80] : memref<50000x128xf32, #tpu.memory_space<hbm>> -> memref<50000x128xf32, #tpu.memory_space<hbm>>
    tpu.enqueue_indirect_dma source(%dma_start3A_81 : memref<50000x128xf32, #tpu.memory_space<hbm>>) target(%arg7 : memref<128x128xf32, #tpu.memory_space<vmem>>) offsets(%arg6 : memref<128xi32, #tpu.memory_space<vmem>>) semaphore(%arg8 : memref<!tpu.dma_semaphore, #tpu.memory_space<semaphore_mem>>)
    %dma_wait3A = arith.constant 0 : i32
    %dma_wait3A_82 = arith.constant 0 : i32
    %dma_wait3A_83 = tpu.memref_slice %arg3[%dma_wait3A, %dma_wait3A_82] : memref<50000x128xf32, #tpu.memory_space<hbm>> -> memref<50000x128xf32, #tpu.memory_space<hbm>>
    tpu.wait_indirect_dma semaphore(%arg8 : memref<!tpu.dma_semaphore, #tpu.memory_space<semaphore_mem>>) src(%dma_wait3A_83 : memref<50000x128xf32, #tpu.memory_space<hbm>>) dst(%arg7 : memref<128x128xf32, #tpu.memory_space<vmem>>)
    "tpu.region"() ({
      %run_scoped3A = tpu.sem_alloc : memref<!tpu.dma_semaphore, #tpu.memory_space<semaphore_mem>>
      %dma_start3A_84 = arith.constant 0 : i32
      %dma_start3A_85 = tpu.memref_slice %arg4[%mul3A_2, %dma_start3A_84] : memref<4096x128xf32, #tpu.memory_space<hbm>> -> memref<128x128xf32, #tpu.memory_space<hbm>>
      %dma_start3A_86 = arith.constant 0 : i32
      %dma_start3A_87 = tpu.memref_slice %arg4[%mul3A_2, %dma_start3A_86] : memref<4096x128xf32, #tpu.memory_space<hbm>> -> memref<128x128xf32, #tpu.memory_space<hbm>>
      tpu.enqueue_dma source(%arg7 : memref<128x128xf32, #tpu.memory_space<vmem>>) target(%dma_start3A_87 : memref<128x128xf32, #tpu.memory_space<hbm>>) target_semaphore(%run_scoped3A : memref<!tpu.dma_semaphore, #tpu.memory_space<semaphore_mem>>)
      %dma_wait3A_88 = arith.constant 0 : i32
      %dma_wait3A_89 = tpu.memref_slice %arg4[%mul3A_2, %dma_wait3A_88] : memref<4096x128xf32, #tpu.memory_space<hbm>> -> memref<128x128xf32, #tpu.memory_space<hbm>>
      %dma_wait3A_90 = arith.constant 0 : i32
      %dma_wait3A_91 = tpu.memref_slice %arg4[%mul3A_2, %dma_wait3A_90] : memref<4096x128xf32, #tpu.memory_space<hbm>> -> memref<128x128xf32, #tpu.memory_space<hbm>>
      tpu.wait_dma2 semaphore(%run_scoped3A : memref<!tpu.dma_semaphore, #tpu.memory_space<semaphore_mem>>) src(%arg7 : memref<128x128xf32, #tpu.memory_space<vmem>>) dst(%dma_wait3A_91 : memref<128x128xf32, #tpu.memory_space<hbm>>)
      tpu.yield
    }) : () -> ()
    return
  }
}

module attributes {stable_mosaic.version = 14 : i64} {
  func.func @_mlp_body(%arg0: memref<4096x128xf32, #tpu.memory_space<vmem>>, %arg1: memref<4096xi32, #tpu.memory_space<vmem>>, %arg2: memref<4096xi32, #tpu.memory_space<vmem>>, %arg3: memref<4096xi32, #tpu.memory_space<vmem>>, %arg4: memref<4096xi32, #tpu.memory_space<vmem>>, %arg5: memref<4096x6xf32, #tpu.memory_space<vmem>>, %arg6: memref<32x16xf32, #tpu.memory_space<vmem>>, %arg7: memref<16x16xf32, #tpu.memory_space<vmem>>, %arg8: memref<24x16xf32, #tpu.memory_space<vmem>>, %arg9: memref<118x256xf32, #tpu.memory_space<vmem>>, %arg10: memref<256xf32, #tpu.memory_space<vmem>>, %arg11: memref<256xf32, #tpu.memory_space<vmem>>, %arg12: memref<256xf32, #tpu.memory_space<vmem>>, %arg13: memref<256x128xf32, #tpu.memory_space<vmem>>, %arg14: memref<128xf32, #tpu.memory_space<vmem>>, %arg15: memref<128xf32, #tpu.memory_space<vmem>>, %arg16: memref<128xf32, #tpu.memory_space<vmem>>, %arg17: memref<4096x128xf32, #tpu.memory_space<vmem>>) attributes {dimension_semantics = [], scalar_prefetch = 0 : i64, scratch_operands = 0 : i64, tpu.core_type = #tpu.core_type<tc>} {
    %get3A = arith.constant 0 : index
    %get3A_0 = vector.load %arg1[%get3A] : memref<4096xi32, #tpu.memory_space<vmem>>, vector<4096xi32>
    %and3A = arith.constant 1 : i32
    %and3A_1 = vector.broadcast %and3A : i32 to vector<4096xi32>
    %and3A_2 = arith.andi %get3A_0, %and3A_1 : vector<4096xi32>
    %reshape3A = vector.shape_cast %and3A_2 : vector<4096xi32> to vector<4096x1xi32>
    %get3A_3 = arith.constant 0 : index
    %get3A_4 = arith.constant 0 : index
    %get3A_5 = vector.load %arg0[%get3A_3, %get3A_4] : memref<4096x128xf32, #tpu.memory_space<vmem>>, vector<4096x128xf32>
    %eq3A = arith.constant 1 : i32
    %eq3A_6 = vector.broadcast %eq3A : i32 to vector<4096x1xi32>
    %eq3A_7 = arith.cmpi eq, %reshape3A, %eq3A_6 : vector<4096x1xi32>
    %slice3A = vector.extract_strided_slice %get3A_5 {offsets = [0, 64], sizes = [4096, 64], strides = [1, 1]} : vector<4096x128xf32> to vector<4096x64xf32>
    %slice3A_8 = vector.extract_strided_slice %get3A_5 {offsets = [0, 0], sizes = [4096, 64], strides = [1, 1]} : vector<4096x128xf32> to vector<4096x64xf32>
    %broadcast_in_dim3A = vector.shape_cast %eq3A_7 : vector<4096x1xi1> to vector<4096x1xi1>
    %broadcast_in_dim3A_9 = vector.broadcast %broadcast_in_dim3A : vector<4096x1xi1> to vector<4096x64xi1>
    %select_n3A = arith.select %broadcast_in_dim3A_9, %slice3A, %slice3A_8 : vector<4096x64xi1>, vector<4096x64xf32>
    %get3A_10 = arith.constant 0 : index
    %get3A_11 = vector.load %arg2[%get3A_10] : memref<4096xi32, #tpu.memory_space<vmem>>, vector<4096xi32>
    %reshape3A_12 = vector.shape_cast %get3A_11 : vector<4096xi32> to vector<4096x1xi32>
    %get3A_13 = arith.constant 0 : index
    %get3A_14 = vector.load %arg3[%get3A_13] : memref<4096xi32, #tpu.memory_space<vmem>>, vector<4096xi32>
    %reshape3A_15 = vector.shape_cast %get3A_14 : vector<4096xi32> to vector<4096x1xi32>
    %get3A_16 = arith.constant 0 : index
    %get3A_17 = vector.load %arg4[%get3A_16] : memref<4096xi32, #tpu.memory_space<vmem>>, vector<4096xi32>
    %reshape3A_18 = vector.shape_cast %get3A_17 : vector<4096xi32> to vector<4096x1xi32>
    %iota3A = tpu.iota {dimensions = array<i32: 1>} : vector<4096x32xi32>
    %eq3A_19 = vector.broadcast %reshape3A_12 : vector<4096x1xi32> to vector<4096x32xi32>
    %eq3A_20 = arith.cmpi eq, %eq3A_19, %iota3A : vector<4096x32xi32>
    %convert_element_type3A = arith.extui %eq3A_20 : vector<4096x32xi1> to vector<4096x32xi32>
    %convert_element_type3A_21 = arith.sitofp %convert_element_type3A : vector<4096x32xi32> to vector<4096x32xf32>
    %iota3A_22 = tpu.iota {dimensions = array<i32: 1>} : vector<4096x16xi32>
    %eq3A_23 = vector.broadcast %reshape3A_15 : vector<4096x1xi32> to vector<4096x16xi32>
    %eq3A_24 = arith.cmpi eq, %eq3A_23, %iota3A_22 : vector<4096x16xi32>
    %convert_element_type3A_25 = arith.extui %eq3A_24 : vector<4096x16xi1> to vector<4096x16xi32>
    %convert_element_type3A_26 = arith.sitofp %convert_element_type3A_25 : vector<4096x16xi32> to vector<4096x16xf32>
    %iota3A_27 = tpu.iota {dimensions = array<i32: 1>} : vector<4096x24xi32>
    %eq3A_28 = vector.broadcast %reshape3A_18 : vector<4096x1xi32> to vector<4096x24xi32>
    %eq3A_29 = arith.cmpi eq, %eq3A_28, %iota3A_27 : vector<4096x24xi32>
    %convert_element_type3A_30 = arith.extui %eq3A_29 : vector<4096x24xi1> to vector<4096x24xi32>
    %convert_element_type3A_31 = arith.sitofp %convert_element_type3A_30 : vector<4096x24xi32> to vector<4096x24xf32>
    %get3A_32 = arith.constant 0 : index
    %get3A_33 = arith.constant 0 : index
    %get3A_34 = vector.load %arg9[%get3A_32, %get3A_33] : memref<118x256xf32, #tpu.memory_space<vmem>>, vector<118x256xf32>
    %get3A_35 = arith.constant 0 : index
    %get3A_36 = arith.constant 0 : index
    %get3A_37 = vector.load %arg6[%get3A_35, %get3A_36] : memref<32x16xf32, #tpu.memory_space<vmem>>, vector<32x16xf32>
    %slice3A_38 = vector.extract_strided_slice %get3A_34 {offsets = [64, 0], sizes = [16, 256], strides = [1, 1]} : vector<118x256xf32> to vector<16x256xf32>
    %dot_general3A = arith.constant dense<0.000000e+00> : vector<32x256xf32>
    %dot_general3A_39 = tpu.matmul %get3A_37, %slice3A_38, %dot_general3A {dimension_numbers = #tpu.dot_dimension_numbers<[1], [0], [0], [1], [0, 0, 1, 1], [], []>, transpose_lhs_hint = false} : vector<32x16xf32>, vector<16x256xf32>, vector<32x256xf32> -> vector<32x256xf32>
    %get3A_40 = arith.constant 0 : index
    %get3A_41 = arith.constant 0 : index
    %get3A_42 = vector.load %arg7[%get3A_40, %get3A_41] : memref<16x16xf32, #tpu.memory_space<vmem>>, vector<16x16xf32>
    %slice3A_43 = vector.extract_strided_slice %get3A_34 {offsets = [80, 0], sizes = [16, 256], strides = [1, 1]} : vector<118x256xf32> to vector<16x256xf32>
    %dot_general3A_44 = arith.constant dense<0.000000e+00> : vector<16x256xf32>
    %dot_general3A_45 = tpu.matmul %get3A_42, %slice3A_43, %dot_general3A_44 {dimension_numbers = #tpu.dot_dimension_numbers<[1], [0], [0], [1], [0, 0, 1, 1], [], []>, transpose_lhs_hint = false} : vector<16x16xf32>, vector<16x256xf32>, vector<16x256xf32> -> vector<16x256xf32>
    %get3A_46 = arith.constant 0 : index
    %get3A_47 = arith.constant 0 : index
    %get3A_48 = vector.load %arg8[%get3A_46, %get3A_47] : memref<24x16xf32, #tpu.memory_space<vmem>>, vector<24x16xf32>
    %slice3A_49 = vector.extract_strided_slice %get3A_34 {offsets = [96, 0], sizes = [16, 256], strides = [1, 1]} : vector<118x256xf32> to vector<16x256xf32>
    %dot_general3A_50 = arith.constant dense<0.000000e+00> : vector<24x256xf32>
    %dot_general3A_51 = tpu.matmul %get3A_48, %slice3A_49, %dot_general3A_50 {dimension_numbers = #tpu.dot_dimension_numbers<[1], [0], [0], [1], [0, 0, 1, 1], [], []>, transpose_lhs_hint = false} : vector<24x16xf32>, vector<16x256xf32>, vector<24x256xf32> -> vector<24x256xf32>
    %slice3A_52 = vector.extract_strided_slice %get3A_34 {offsets = [0, 0], sizes = [64, 256], strides = [1, 1]} : vector<118x256xf32> to vector<64x256xf32>
    %dot_general3A_53 = arith.constant dense<0.000000e+00> : vector<4096x256xf32>
    %dot_general3A_54 = tpu.matmul %select_n3A, %slice3A_52, %dot_general3A_53 {dimension_numbers = #tpu.dot_dimension_numbers<[1], [0], [0], [1], [0, 0, 1, 1], [], []>, transpose_lhs_hint = false} : vector<4096x64xf32>, vector<64x256xf32>, vector<4096x256xf32> -> vector<4096x256xf32>
    %dot_general3A_55 = arith.constant dense<0.000000e+00> : vector<4096x256xf32>
    %dot_general3A_56 = tpu.matmul %convert_element_type3A_21, %dot_general3A_39, %dot_general3A_55 {dimension_numbers = #tpu.dot_dimension_numbers<[1], [0], [0], [1], [0, 0, 1, 1], [], []>, transpose_lhs_hint = false} : vector<4096x32xf32>, vector<32x256xf32>, vector<4096x256xf32> -> vector<4096x256xf32>
    %add3A = arith.addf %dot_general3A_54, %dot_general3A_56 : vector<4096x256xf32>
    %dot_general3A_57 = arith.constant dense<0.000000e+00> : vector<4096x256xf32>
    %dot_general3A_58 = tpu.matmul %convert_element_type3A_26, %dot_general3A_45, %dot_general3A_57 {dimension_numbers = #tpu.dot_dimension_numbers<[1], [0], [0], [1], [0, 0, 1, 1], [], []>, transpose_lhs_hint = false} : vector<4096x16xf32>, vector<16x256xf32>, vector<4096x256xf32> -> vector<4096x256xf32>
    %add3A_59 = arith.addf %add3A, %dot_general3A_58 : vector<4096x256xf32>
    %dot_general3A_60 = arith.constant dense<0.000000e+00> : vector<4096x256xf32>
    %dot_general3A_61 = tpu.matmul %convert_element_type3A_31, %dot_general3A_51, %dot_general3A_60 {dimension_numbers = #tpu.dot_dimension_numbers<[1], [0], [0], [1], [0, 0, 1, 1], [], []>, transpose_lhs_hint = false} : vector<4096x24xf32>, vector<24x256xf32>, vector<4096x256xf32> -> vector<4096x256xf32>
    %add3A_62 = arith.addf %add3A_59, %dot_general3A_61 : vector<4096x256xf32>
    %get3A_63 = arith.constant 0 : index
    %get3A_64 = arith.constant 0 : index
    %get3A_65 = vector.load %arg5[%get3A_63, %get3A_64] : memref<4096x6xf32, #tpu.memory_space<vmem>>, vector<4096x6xf32>
    %slice3A_66 = vector.extract_strided_slice %get3A_34 {offsets = [112, 0], sizes = [6, 256], strides = [1, 1]} : vector<118x256xf32> to vector<6x256xf32>
    %dot_general3A_67 = arith.constant dense<0.000000e+00> : vector<4096x256xf32>
    %dot_general3A_68 = tpu.matmul %get3A_65, %slice3A_66, %dot_general3A_67 {dimension_numbers = #tpu.dot_dimension_numbers<[1], [0], [0], [1], [0, 0, 1, 1], [], []>, transpose_lhs_hint = false} : vector<4096x6xf32>, vector<6x256xf32>, vector<4096x256xf32> -> vector<4096x256xf32>
    %add3A_69 = arith.addf %add3A_62, %dot_general3A_68 : vector<4096x256xf32>
    %get3A_70 = arith.constant 0 : index
    %get3A_71 = vector.load %arg10[%get3A_70] : memref<256xf32, #tpu.memory_space<vmem>>, vector<256xf32>
    %broadcast_in_dim3A_72 = vector.shape_cast %get3A_71 : vector<256xf32> to vector<1x256xf32>
    %add3A_73 = vector.broadcast %broadcast_in_dim3A_72 : vector<1x256xf32> to vector<4096x256xf32>
    %add3A_74 = arith.addf %add3A_69, %add3A_73 : vector<4096x256xf32>
    %max3A = arith.constant 0.000000e+00 : f32
    %max3A_75 = vector.broadcast %max3A : f32 to vector<4096x256xf32>
    %max3A_76 = arith.maximumf %add3A_74, %max3A_75 : vector<4096x256xf32>
    %reduce_sum3A = arith.constant dense<0.000000e+00> : vector<256xf32>
    %reduce_sum3A_77 = vector.multi_reduction <add>, %max3A_76, %reduce_sum3A [0] : vector<4096x256xf32> to vector<256xf32>
    %broadcast_in_dim3A_78 = vector.shape_cast %reduce_sum3A_77 : vector<256xf32> to vector<1x256xf32>
    %div3A = arith.constant 4.096000e+03 : f32
    %div3A_79 = vector.broadcast %div3A : f32 to vector<1x256xf32>
    %div3A_80 = arith.divf %broadcast_in_dim3A_78, %div3A_79 : vector<1x256xf32>
    %sub3A = vector.broadcast %div3A_80 : vector<1x256xf32> to vector<4096x256xf32>
    %sub3A_81 = arith.subf %max3A_76, %sub3A : vector<4096x256xf32>
    %integer_pow3A = arith.mulf %sub3A_81, %sub3A_81 : vector<4096x256xf32>
    %reduce_sum3A_82 = arith.constant dense<0.000000e+00> : vector<256xf32>
    %reduce_sum3A_83 = vector.multi_reduction <add>, %integer_pow3A, %reduce_sum3A_82 [0] : vector<4096x256xf32> to vector<256xf32>
    %broadcast_in_dim3A_84 = vector.shape_cast %reduce_sum3A_83 : vector<256xf32> to vector<1x256xf32>
    %div3A_85 = arith.constant 4.096000e+03 : f32
    %div3A_86 = vector.broadcast %div3A_85 : f32 to vector<1x256xf32>
    %div3A_87 = arith.divf %broadcast_in_dim3A_84, %div3A_86 : vector<1x256xf32>
    %get3A_88 = arith.constant 0 : index
    %get3A_89 = vector.load %arg11[%get3A_88] : memref<256xf32, #tpu.memory_space<vmem>>, vector<256xf32>
    %sub3A_90 = vector.broadcast %div3A_80 : vector<1x256xf32> to vector<4096x256xf32>
    %sub3A_91 = arith.subf %max3A_76, %sub3A_90 : vector<4096x256xf32>
    %broadcast_in_dim3A_92 = vector.shape_cast %get3A_89 : vector<256xf32> to vector<1x256xf32>
    %mul3A = vector.broadcast %broadcast_in_dim3A_92 : vector<1x256xf32> to vector<4096x256xf32>
    %mul3A_93 = arith.mulf %mul3A, %sub3A_91 : vector<4096x256xf32>
    %add3A_94 = arith.constant 9.99999974E-6 : f32
    %add3A_95 = vector.broadcast %add3A_94 : f32 to vector<1x256xf32>
    %add3A_96 = arith.addf %div3A_87, %add3A_95 : vector<1x256xf32>
    %rsqrt3A = math.rsqrt %add3A_96 : vector<1x256xf32>
    %mul3A_97 = vector.broadcast %rsqrt3A : vector<1x256xf32> to vector<4096x256xf32>
    %mul3A_98 = arith.mulf %mul3A_93, %mul3A_97 : vector<4096x256xf32>
    %get3A_99 = arith.constant 0 : index
    %get3A_100 = vector.load %arg12[%get3A_99] : memref<256xf32, #tpu.memory_space<vmem>>, vector<256xf32>
    %broadcast_in_dim3A_101 = vector.shape_cast %get3A_100 : vector<256xf32> to vector<1x256xf32>
    %add3A_102 = vector.broadcast %broadcast_in_dim3A_101 : vector<1x256xf32> to vector<4096x256xf32>
    %add3A_103 = arith.addf %mul3A_98, %add3A_102 : vector<4096x256xf32>
    %get3A_104 = arith.constant 0 : index
    %get3A_105 = arith.constant 0 : index
    %get3A_106 = vector.load %arg13[%get3A_104, %get3A_105] : memref<256x128xf32, #tpu.memory_space<vmem>>, vector<256x128xf32>
    %dot_general3A_107 = arith.constant dense<0.000000e+00> : vector<4096x128xf32>
    %dot_general3A_108 = tpu.matmul %add3A_103, %get3A_106, %dot_general3A_107 {dimension_numbers = #tpu.dot_dimension_numbers<[1], [0], [0], [1], [0, 0, 1, 1], [], []>, transpose_lhs_hint = false} : vector<4096x256xf32>, vector<256x128xf32>, vector<4096x128xf32> -> vector<4096x128xf32>
    %get3A_109 = arith.constant 0 : index
    %get3A_110 = vector.load %arg14[%get3A_109] : memref<128xf32, #tpu.memory_space<vmem>>, vector<128xf32>
    %broadcast_in_dim3A_111 = vector.shape_cast %get3A_110 : vector<128xf32> to vector<1x128xf32>
    %add3A_112 = vector.broadcast %broadcast_in_dim3A_111 : vector<1x128xf32> to vector<4096x128xf32>
    %add3A_113 = arith.addf %dot_general3A_108, %add3A_112 : vector<4096x128xf32>
    %max3A_114 = arith.constant 0.000000e+00 : f32
    %max3A_115 = vector.broadcast %max3A_114 : f32 to vector<4096x128xf32>
    %max3A_116 = arith.maximumf %add3A_113, %max3A_115 : vector<4096x128xf32>
    %reduce_sum3A_117 = arith.constant dense<0.000000e+00> : vector<128xf32>
    %reduce_sum3A_118 = vector.multi_reduction <add>, %max3A_116, %reduce_sum3A_117 [0] : vector<4096x128xf32> to vector<128xf32>
    %broadcast_in_dim3A_119 = vector.shape_cast %reduce_sum3A_118 : vector<128xf32> to vector<1x128xf32>
    %div3A_120 = arith.constant 4.096000e+03 : f32
    %div3A_121 = vector.broadcast %div3A_120 : f32 to vector<1x128xf32>
    %div3A_122 = arith.divf %broadcast_in_dim3A_119, %div3A_121 : vector<1x128xf32>
    %sub3A_123 = vector.broadcast %div3A_122 : vector<1x128xf32> to vector<4096x128xf32>
    %sub3A_124 = arith.subf %max3A_116, %sub3A_123 : vector<4096x128xf32>
    %integer_pow3A_125 = arith.mulf %sub3A_124, %sub3A_124 : vector<4096x128xf32>
    %reduce_sum3A_126 = arith.constant dense<0.000000e+00> : vector<128xf32>
    %reduce_sum3A_127 = vector.multi_reduction <add>, %integer_pow3A_125, %reduce_sum3A_126 [0] : vector<4096x128xf32> to vector<128xf32>
    %broadcast_in_dim3A_128 = vector.shape_cast %reduce_sum3A_127 : vector<128xf32> to vector<1x128xf32>
    %div3A_129 = arith.constant 4.096000e+03 : f32
    %div3A_130 = vector.broadcast %div3A_129 : f32 to vector<1x128xf32>
    %div3A_131 = arith.divf %broadcast_in_dim3A_128, %div3A_130 : vector<1x128xf32>
    %get3A_132 = arith.constant 0 : index
    %get3A_133 = vector.load %arg15[%get3A_132] : memref<128xf32, #tpu.memory_space<vmem>>, vector<128xf32>
    %sub3A_134 = vector.broadcast %div3A_122 : vector<1x128xf32> to vector<4096x128xf32>
    %sub3A_135 = arith.subf %max3A_116, %sub3A_134 : vector<4096x128xf32>
    %broadcast_in_dim3A_136 = vector.shape_cast %get3A_133 : vector<128xf32> to vector<1x128xf32>
    %mul3A_137 = vector.broadcast %broadcast_in_dim3A_136 : vector<1x128xf32> to vector<4096x128xf32>
    %mul3A_138 = arith.mulf %mul3A_137, %sub3A_135 : vector<4096x128xf32>
    %add3A_139 = arith.constant 9.99999974E-6 : f32
    %add3A_140 = vector.broadcast %add3A_139 : f32 to vector<1x128xf32>
    %add3A_141 = arith.addf %div3A_131, %add3A_140 : vector<1x128xf32>
    %rsqrt3A_142 = math.rsqrt %add3A_141 : vector<1x128xf32>
    %mul3A_143 = vector.broadcast %rsqrt3A_142 : vector<1x128xf32> to vector<4096x128xf32>
    %mul3A_144 = arith.mulf %mul3A_138, %mul3A_143 : vector<4096x128xf32>
    %get3A_145 = arith.constant 0 : index
    %get3A_146 = vector.load %arg16[%get3A_145] : memref<128xf32, #tpu.memory_space<vmem>>, vector<128xf32>
    %broadcast_in_dim3A_147 = vector.shape_cast %get3A_146 : vector<128xf32> to vector<1x128xf32>
    %add3A_148 = vector.broadcast %broadcast_in_dim3A_147 : vector<1x128xf32> to vector<4096x128xf32>
    %add3A_149 = arith.addf %mul3A_144, %add3A_148 : vector<4096x128xf32>
    %mul3A_150 = arith.mulf %add3A_149, %add3A_149 : vector<4096x128xf32>
    %reduce_sum3A_151 = arith.constant dense<0.000000e+00> : vector<4096xf32>
    %reduce_sum3A_152 = vector.multi_reduction <add>, %mul3A_150, %reduce_sum3A_151 [1] : vector<4096x128xf32> to vector<4096xf32>
    %broadcast_in_dim3A_153 = vector.shape_cast %reduce_sum3A_152 : vector<4096xf32> to vector<4096x1xf32>
    %sqrt3A = math.sqrt %broadcast_in_dim3A_153 : vector<4096x1xf32>
    %max3A_154 = arith.constant 9.99999996E-13 : f32
    %max3A_155 = vector.broadcast %max3A_154 : f32 to vector<4096x1xf32>
    %max3A_156 = arith.maximumf %sqrt3A, %max3A_155 : vector<4096x1xf32>
    %div3A_157 = vector.broadcast %max3A_156 : vector<4096x1xf32> to vector<4096x128xf32>
    %div3A_158 = arith.divf %add3A_149, %div3A_157 : vector<4096x128xf32>
    %swap3A = arith.constant 0 : index
    %swap3A_159 = arith.constant 0 : index
    %swap3A_160 = vector.load %arg17[%swap3A, %swap3A_159] : memref<4096x128xf32, #tpu.memory_space<vmem>>, vector<4096x128xf32>
    tpu.vector_store %arg17[%swap3A, %swap3A_159], %div3A_158 {strides = array<i32>} : memref<4096x128xf32, #tpu.memory_space<vmem>>, vector<4096x128xf32>,
    return
  }
}

</mosaic_0001>

<sc_bundles>
// kernel: kernel.4.cloned.1.call-start
scs
__scs_entry_jumppad:
0x0: {  	(pc) =	sbr.rel $0x88, $3  }
0x1: {  	(tag) =	ssettag $0x0;
	lr =	simm.s32 $0x1  }
0x2: {  	[smem:$0x3F8B] =	sst lr;
	_ =	strace $0xD0000000  }
0x3: {  	_ = 	snop  }
0x4: {  	_ = 	snop  }
0x5: {  	_ = 	snop  }
0x6: {  	_ = 	snop  }
0x7: {  	_ = 	snop  }
__scs_overlays_trampoline_lowered:
0x8: {  	[smem:$0x3F9A] =	sst s0  }
0x9: {  	[smem:$0x3F9B] =	sst s1  }
0xa: {  	[smem:$0x3F9C] =	sst s2  }
0xb: {  	[smem:$0x3F9D] =	sst s3  }
0xc: {  	[smem:$0x3F9E] =	sst s4  }
0xd: {  	[smem:$0x3F9F] =	sst s5  }
0xe: {  	[smem:$0x3FA0] =	sst s6  }
0xf: {  	[smem:$0x3FA1] =	sst s7  }
0x10: {  	[smem:$0x3FA2] =	sst s8  }
0x11: {  	[smem:$0x3FA3] =	sst s9;
	s0 =	simm.s32 @!p0 $0x0  }
0x12: {  	s1 =	sld [smem:$0x3F89];
	s0 =	simm.s32 @p0 $0x1  }
0x13: {  	[smem:$0x3FA4] =	sst s0;
	s0 =	simm.s32 @!p1 $0x0  }
0x14: {  	s2 =	sld [smem:$0x3F88];
	s0 =	simm.s32 @p1 $0x1  }
0x15: {  	[smem:$0x3FA5] =	sst s0;
	s0 =	simm.s32 @!p2 $0x0  }
0x16: {  	s3 =	sld [smem:$0x3FDB];
	s0 =	simm.s32 @p2 $0x1  }
0x17: {  	s4 =	simm.s32 $0x1BF5;
	[smem:$0x3FA7] =	sst s0  }
0x18: {  	s0 =	sld [smem:$0x3F8A];
	_ =	swait.ge [sflag:s4], $0x0  }
0x19: {  	s7 =	sld [smem:$0x3F8B]  }
0x1a: {  	s8 =	sadd.s32 $0xFFFFE003, lr  }
0x1b: {  	s9 =	sadd.s32 $0xFFFFFEF7, lr;
	s5 =	simm.s32 $0xFFFFFFFF;
	p2 =	slt.u32 s8, $0xFFFFF086  }
0x1c: {  	p1 =	slt.u32 s9, $0xF7A;
	s5 =	simm.s32 @!p2 $0x0  }
0x1d: {  	s5 =	simm.s32 @p1 $0x1;
	p0 =	seq.s32 s7, s2  }
0x1e: {  	s7 =	smul.u32 @!p0 $0xF7A, s2;
	p2 =	seq.s32 @!p0 s5, $0x0  }
0x1f: {  	s9 =	smul.u32 $0xF7A, s1;
	s8 =	simm.s32 @!p0 $0x1BF5;
	p2 =	por !p2, p0  }
0x20: {  	[sflag:s8] =	ssyncset.s32 @!p0 $0xFFFFF086;
	s6 =	sadd.s32 @!p0 s3, s7;
	s7 =	simm.s32 @!p0 $0x108  }
0x21: {  	s3 =	sadd.s32 s3, s9;
	s6 =	sadd.s32 @!p0 $0x88, s6;
	s7 =	simm.s32 @p2 $0x1082  }
0x22: {  	[simem:s7], [sflag:s8] =	dma.local @!p0 [hbm:s6], $0xF7A  }
0x23: {  	s9 =	sor.u32 $0xD0000000, s2;
	s6 =	simm.s32 $0x108;
	_ =	swait.ge @!p0 [sflag:s8], $0x0  }
0x24: {  	s3 =	sadd.s32 $0x88, s3;
	s6 =	simm.s32 @!p1 $0x1082;
	[sflag:s4] =	ssyncset.s32 $0xFFFFF086  }
0x25: {  	[simem:s6], [sflag:s4] =	dma.local [hbm:s3], $0xF7A  }
0x26: {  	[smem:$0x3F8B] =	sst s1;
	(tag) =	ssettag s2;
	_ =	strace s9  }
0x27: {  	s1 =	sld [smem:$0x3F9B]  }
0x28: {  	s2 =	sld [smem:$0x3F9C]  }
0x29: {  	s4 =	sld [smem:$0x3F9E]  }
0x2a: {  	p0 =	seq.s32 s5, $0x0;
	s5 =	sld [smem:$0x3F9F]  }
0x2b: {  	s6 =	sld [smem:$0x3FA0]  }
0x2c: {  	s7 =	sld [smem:$0x3FA1]  }
0x2d: {  	s3 =	simm.s32 $0x108;
	s8 =	sld [smem:$0x3FA2]  }
0x2e: {  	s3 =	simm.s32 @!p0 $0x1082;
	s9 =	sld [smem:$0x3FA3]  }
0x2f: {  	lr =	sadd.s32 s0, s3;
	s0 =	sld [smem:$0x3F9A]  }
0x30: {  	s3 =	sld [smem:$0x3F9D]  }
0x31: {  	[smem:$0x3FA6] =	sst s10  }
0x32: {  	s10 =	sld [smem:$0x3FA4];
	_ =	sdelay $0x3  }
0x33: {  	p0 =	seq.s32 s10, $0x1;
	s10 =	sld [smem:$0x3FA6];
	_ =	sdelay $0x3  }
0x34: {  	[smem:$0x3FA6] =	sst s10  }
0x35: {  	s10 =	sld [smem:$0x3FA5];
	_ =	sdelay $0x3  }
0x36: {  	p1 =	seq.s32 s10, $0x1;
	s10 =	sld [smem:$0x3FA6];
	_ =	sdelay $0x3  }
0x37: {  	[smem:$0x3FA6] =	sst s10  }
0x38: {  	s10 =	sld [smem:$0x3FA7]  }
0x39: {  	_ = 	snop;
	(pc) =	sbr.ind lr, $3  }
0x3a: {  	_ = 	snop  }
0x3b: {  	_ = 	snop  }
0x3c: {  	p2 =	seq.s32 s10, $0x1;
	s10 =	sld [smem:$0x3FA6]  }
0x3d: {  	_ =	shalt  }
0x3e: {  	_ =	shalt  }
0x3f: {  	_ =	shalt  }
0x40: {  	_ =	shalt  }
0x41: {  	_ =	shalt  }
0x42: {  	_ =	shalt  }
0x43: {  	_ =	shalt  }
0x44: {  	_ =	shalt  }
0x45: {  	_ =	shalt  }
0x46: {  	_ =	shalt  }
0x47: {  	_ =	shalt  }
0x48: {  	_ =	shalt  }
0x49: {  	_ =	shalt  }
0x4a: {  	_ =	shalt  }
0x4b: {  	_ =	shalt  }
0x4c: {  	_ =	shalt  }
0x4d: {  	_ =	shalt  }
0x4e: {  	_ =	shalt  }
0x4f: {  	_ =	shalt  }
0x50: {  	_ =	shalt  }
0x51: {  	_ =	shalt  }
0x52: {  	_ =	shalt  }
0x53: {  	_ =	shalt  }
0x54: {  	_ =	shalt  }
0x55: {  	_ =	shalt  }
0x56: {  	_ =	shalt  }
0x57: {  	_ =	shalt  }
0x58: {  	_ =	shalt  }
0x59: {  	_ =	shalt  }
0x5a: {  	_ =	shalt  }
0x5b: {  	_ =	shalt  }
0x5c: {  	_ =	shalt  }
0x5d: {  	_ =	shalt  }
0x5e: {  	_ =	shalt  }
0x5f: {  	_ =	shalt  }
0x60: {  	_ =	shalt  }
0x61: {  	_ =	shalt  }
0x62: {  	_ =	shalt  }
0x63: {  	_ =	shalt  }
0x64: {  	_ =	shalt  }
0x65: {  	_ =	shalt  }
0x66: {  	_ =	shalt  }
0x67: {  	_ =	shalt  }
0x68: {  	_ =	shalt  }
0x69: {  	_ =	shalt  }
0x6a: {  	_ =	shalt  }
0x6b: {  	_ =	shalt  }
0x6c: {  	_ =	shalt  }
0x6d: {  	_ =	shalt  }
0x6e: {  	_ =	shalt  }
0x6f: {  	_ =	shalt  }
0x70: {  	_ =	shalt  }
0x71: {  	_ =	shalt  }
0x72: {  	_ =	shalt  }
0x73: {  	_ =	shalt  }
0x74: {  	_ =	shalt  }
0x75: {  	_ =	shalt  }
0x76: {  	_ =	shalt  }
0x77: {  	_ =	shalt  }
0x78: {  	_ =	shalt  }
0x79: {  	_ =	shalt  }
0x7a: {  	_ =	shalt  }
0x7b: {  	_ =	shalt  }
0x7c: {  	_ =	shalt  }
0x7d: {  	_ =	shalt  }
0x7e: {  	_ =	shalt  }
0x7f: {  	_ =	shalt  }
0x80: {  	_ =	shalt  }
0x81: {  	_ =	shalt  }
0x82: {  	_ =	shalt  }
0x83: {  	_ =	shalt  }
0x84: {  	_ =	shalt  }
0x85: {  	_ =	shalt  }
0x86: {  	_ =	shalt  }
0x87: {  	_ =	shalt  }
.Lfunc_end0:
.L_simem_size_0:
called_computation_lowered:
.L_overlay_start_0:
0x88: {  	s2 =	sld [smem:$0x3FD9]  }
0x89: {  	s3 =	sld [smem:$0x3FFE];
	_ =	sdelay $0x1  }
0x8a: {  	s1 =	srdreg.scid  }
0x8b: {  	s0 =	sand.u32 $0x1, s1  }
0x8c: {  	s17 =	sshll.u32 s0, $0xA;
	s2 =	sadd.s32 s3, s2  }
0x8d: {  	s2 =	sadd.s32 s2, s17  }
0x8e: {  	[smem:$0x3FB2] =	sst s2  }
0x8f: {  	_ = 	snop  }
0x90: {  	s2 =	sld [smem:$0x3FC9]  }
0x91: {  	s18 =	sld [smem:$0x3FD0];
	(tm) =	ssettm $0x1  }
0x92: {  	s4 =	sld [smem:$0x3FFB];
	_ =	sdelay $0x3  }
0x93: {  	_ =	strace s4  }
0x94: {  	s4 =	sld [smem:$0x3FFC];
	_ =	sdelay $0x3  }
0x95: {  	_ =	strace s4  }
0x96: {  	s4 =	sld [smem:$0x3FFD];
	_ =	sdelay $0x3  }
0x97: {  	_ =	strace s4  }
0x98: {  	_ =	strace $0x8FFFFFFF  }
0x99: {  	s19 =	sld [smem:$0x3FDB];
	_ =	sdelay $0x1  }
0x9a: {  	s5 =	simm.s32 $_scs_section_size  }
0x9b: {  	s6 =	simm.s32 $_size__tile_overlayer_lowered;
	s7 =	simm.s32 $_tile_overlayer_lowered  }
0x9c: {  	s22 =	simm.s32 $0x1BFF;
	s21 =	sshll.u32 s7, $0x1;
	s4 =	sadd.s32 s5, s19  }
0x9d: {  	s8 =	simm.s32 $0x0;
	s20 =	sshll.u32 s6, $0x1;
	s6 =	sadd.s32 s21, s4  }
0x9e: {  	[timem:s8], [sflag:s22] =	dma.local [hbm:s6], s20  }
0x9f: {  	_ =	swait.ge [sflag:s22], s20  }
0xa0: {  	s5 =	ssub.s32 $0x0, s20;
	[sflag:s22] =	ssyncset.done $0x0  }
0xa1: {  	[sflag:s22] =	ssyncadd.s32 s5;
	_ =	sdelay $0x1  }
0xa2: {  	s23 =	simm.s32 $0x1B8B  }
0xa3: {  	_ =	swait.ge [sflag:s23], $0x1  }
0xa4: {  	[sflag:s23] =	ssyncset.done $0x0  }
0xa5: {  	s25 =	simm.s32 $0x1B8E;
	s24 =	sld [smem:$0x3FFE];
	[sflag:s23] =	ssyncadd.s32 $0xFFFFFFFF  }
0xa6: {  	s26 =	simm.s32 $execute0_lowered;
	[smem:$0x3FD2] =	sst s25  }
0xa7: {  	s6 =	sshll.u32 s26, $0x1;
	_ =	strace $0x80000046;
	[dreg:$0x1] =	wrdreg $0xFFFFFFFF  }
0xa8: {  	s28 =	simm.s32 $_size_execute0_lowered;
	s4 =	sadd.s32 s4, s6;
	[dreg:$0x0] =	wrdreg $0x0  }
0xa9: {  	s6 =	sshll.u32 s28, $0x1;
	[dreg:$0x2] =	wrdreg s4  }
0xaa: {  	[dreg:$0x3] =	wrdreg s6  }
0xab: {  	[dreg:$0x4] =	wrdreg $0xC0  }
0xac: {  	_ =	task [dreg:s8], $0x5FFFF  }
0xad: {  	[dreg:$0x1] =	wrdreg $0xFFFFFFFF  }
0xae: {  	[dreg:$0x0] =	wrdreg $0x60  }
0xaf: {  	[dreg:$0x2] =	wrdreg s2  }
0xb0: {  	[dreg:$0x3] =	wrdreg s24  }
0xb1: {  	[dreg:$0x4] =	wrdreg s18  }
0xb2: {  	[dreg:$0x5] =	wrdreg $0x9  }
0xb3: {  	_ =	task.clear_ibuf [dreg:s8], $0x6FFFF;
	_ =	strace $0x90000046  }
0xb4: {  	s29 =	simm.s32 $0x9;
	_ =	strace $0x80000048  }
0xb5: {  	_ =	swait.ge [sflag:s29], $0x1  }
0xb6: {  	[sflag:s29] =	ssyncadd.s32 $0xFFFFFFFF  }
0xb7: {  	_ =	strace $0x90000048  }
0xb8: {  	_ =	sfence  }
0xb9: {  	s30 =	sld [smem:$0x0];
	_ =	sdelay $0x2  }
0xba: {  	s31 =	sshll.u32 s1, $0xD;
	s1 =	sshrl.u32 s1, $0x2  }
0xbb: {  	s3 =	sand.u32 $0x4000, s31;
	s1 =	sadd.s32 s1, s30  }
0xbc: {  	s0 =	sor.u32 s3, s0;
	s1 =	sshll.u32 s1, $0x11  }
0xbd: {  	s0 =	sor.u32 s1, s0  }
0xbe: {  	s0 =	sadd.s32 $0x8F2B, s0  }
0xbf: {  	[sflag:s0] =	ssyncadd.remote.s32 $0x1  }
0xc0: {  	_ =	sfence.sel $0xFFFF  }
0xc1: {  	[dreg:$0x0] =	wrdreg $0xFFFFFFFF;
	(pc) =	sbr.abs _section_cstart, $3  }
0xc2: {  	[dreg:$0x1] =	wrdreg $0xFFFFFFFF  }
0xc3: {  	_ =	task.clear_ibuf [dreg:s8], $0x2FFFF;
	_ =	strace $0x9FFFFFFF  }
0xc4: {  	(tm) =	ssettm $0x7FFFFFFF  }
0xc5: {  	_ =	shalt  }
tec
execute0_lowered:
.L_overlay_start_1:
0x0: {  	(tag) =	ssettag $0x1  }
0x1: {  	s3 =	rddreg [dreg:$0x0];
	s1 =	srdreg.scid  }
0x2: {  	s5 =	rddreg [dreg:$0x1];
	s0 =	stileid.u32;
	s6 =	sand.u32 $0x1, s1  }
0x3: {  	s7 =	rddreg [dreg:$0x2];
	s4 =	sshll.u32 s0, $0x8;
	s8 =	sshll.u32 s6, $0x7  }
0x4: {  	s2 =	simm.s32 $0x0;
	s1 =	rddreg [dreg:$0x3];
	s8 =	sor.u32 s8, s4  }
0x5: {  	[smem:$0x7FF] =	sst s2;
	s4 =	sshrl.u32 s8, $0x3  }
0x6: {  	_ =	strace $0x80000047;
	s4 =	sadd.s32 s3, s4;
	s3 =	simm.s32 $0x2  }
0x7: {  	[tilespmem:s2], [sflag:$0x2] =	stream.linear.gather [hbm4b:s4+s2], $0x80, $0x38;
	[tilespmem:$0x4100] =	vst v63  }
0x8: {  	_ =	swait.ge [sflag:s3], $0x80  }
0x9: {  	[sflag:s3] =	ssyncset.done $0x0  }
0xa: {  	[sflag:s3] =	ssyncadd.s32 $0xFFFFFF80  }
0xb: {  	v0 =	vld [tilespmem:$0x70]  }
0xc: {  	v1 =	vld [tilespmem:$0x30]  }
0xd: {  	v2 =	vld [tilespmem:$0x50]  }
0xe: {  	v3 =	vld [tilespmem:$0x40]  }
0xf: {  	s6 =	ssub.s32 $0x2, s6;
	v4 =	vld [tilespmem:$0x60]  }
0x10: {  	s9 =	sshrl.u32 s6, $0x1;
	v5 =	vld [tilespmem:$0x20];
	v0 =	vshrl.u32 v0, $0x1  }
0x11: {  	s6 =	ssub.s32 s6, s9;
	v6 =	vld [tilespmem:$0x10];
	v1 =	vshrl.u32 v1, $0x1;
	[tilespmem:$0xF0] =	vst v0  }
0x12: {  	s10 =	smax.u32 s6, $0x1;
	v58 =	vld [tilespmem:$0x0];
	v59 =	vshrl.u32 v2, $0x1;
	[tilespmem:$0xB0] =	vst v1  }
0x13: {  	p0 =	sne.s32 s10, $0x1;
	v60 =	vshrl.u32 v3, $0x1;
	[tilespmem:$0xD0] =	vst v59  }
.Ltmp0:
0x14: {  	v61 =	vshrl.u32 v4, $0x1;
	[tilespmem:$0xC0] =	vst v60;
	(pc) =	sbr.rel @!p0 .LBB2_2-.Ltmp0, $4  }
0x15: {  	v62 =	vshrl.u32 v5, $0x1;
	[tilespmem:$0xE0] =	vst v61  }
0x16: {  	s8 =	sshll.u32 s8, $0x4;
	v63 =	vshrl.u32 v6, $0x1;
	[tilespmem:$0xA0] =	vst v62  }
0x17: {  	s5 =	sadd.s32 $0x189A00, s5;
	s9 =	simm.s32 $0x1;
	s6 =	sadd.s32 s7, s8;
	v0 =	vshrl.u32 v58, $0x1;
	[tilespmem:$0x90] =	vst v63  }
0x18: {  	s7 =	simm.s32 $0x80;
	s8 =	simm.s32 $0x100;
	s10 =	sadd.s32 $0xFFFFFFFF, s10;
	[tilespmem:$0x80] =	vst v0  }
.LBB2_1:
0x19: {  	[tilespmem:s8], [sflag:$0x1] =	stream.indirect.gather [hbm4b:s5+s7], $0x80, s7, s7, $0xb8;
	[tilespmem:$0x4100] =	vst v63  }
0x1a: {  	p0 =	sne.s32 s10, $0x1;
	s10 =	sadd.s32 $0xFFFFFFFF, s10;
	_ =	swait.ge [sflag:s9], $0x4000  }
0x1b: {  	[sflag:s9] =	ssyncset.done $0x0  }
0x1c: {  	[sflag:s9] =	ssyncadd.s32 $0xFFFFC000  }
0x1d: {  	[hbm4b:s6+s2] =	stream.linear.scatter [tilespmem:s8], [sflag:$0x2], $0x4000, $0x38;
	[tilespmem:$0x4100] =	vst v63  }
0x1e: {  	_ =	swait.ge [sflag:s3], $0x4000  }
0x1f: {  	[sflag:s3] =	ssyncset.done $0x0  }
0x20: {  	[sflag:s3] =	ssyncadd.s32 $0xFFFFC000  }
0x21: {  	[tilespmem:s2], [sflag:$0x2] =	stream.linear.gather [hbm4b:s4+s2], $0x80, $0x38;
	[tilespmem:$0x4100] =	vst v63  }
0x22: {  	_ =	swait.ge [sflag:s3], $0x80  }
0x23: {  	[sflag:s3] =	ssyncset.done $0x0  }
0x24: {  	[sflag:s3] =	ssyncadd.s32 $0xFFFFFF80  }
0x25: {  	v0 =	vld [tilespmem:$0x70]  }
0x26: {  	v1 =	vld [tilespmem:$0x30]  }
0x27: {  	v2 =	vld [tilespmem:$0x50]  }
0x28: {  	v3 =	vld [tilespmem:$0x40]  }
0x29: {  	v4 =	vld [tilespmem:$0x60]  }
0x2a: {  	v5 =	vld [tilespmem:$0x20];
	v0 =	vshrl.u32 v0, $0x1  }
0x2b: {  	v6 =	vld [tilespmem:$0x10];
	v1 =	vshrl.u32 v1, $0x1;
	[tilespmem:$0xF0] =	vst v0  }
0x2c: {  	v0 =	vld [tilespmem:$0x0];
	[tilespmem:$0xB0] =	vst v1;
	v1 =	vshrl.u32 v2, $0x1  }
0x2d: {  	v2 =	vshrl.u32 v3, $0x1;
	[tilespmem:$0xD0] =	vst v1  }
.Ltmp1:
0x2e: {  	[tilespmem:$0xC0] =	vst v2;
	v1 =	vshrl.u32 v4, $0x1;
	(pc) =	sbr.rel @p0 .LBB2_1-.Ltmp1, $4  }
0x2f: {  	v2 =	vshrl.u32 v5, $0x1;
	[tilespmem:$0xE0] =	vst v1  }
0x30: {  	v1 =	vshrl.u32 v6, $0x1;
	[tilespmem:$0xA0] =	vst v2  }
0x31: {  	v0 =	vshrl.u32 v0, $0x1;
	[tilespmem:$0x90] =	vst v1  }
0x32: {  	[tilespmem:$0x80] =	vst v0  }
.LBB2_2:
0x33: {  	[tilespmem:s8], [sflag:$0x1] =	stream.indirect.gather [hbm4b:s5+s7], $0x80, s7, s7, $0xb8;
	[tilespmem:$0x4100] =	vst v63  }
0x34: {  	_ =	swait.ge [sflag:s9], $0x4000  }
0x35: {  	[sflag:s9] =	ssyncset.done $0x0  }
0x36: {  	[sflag:s9] =	ssyncadd.s32 $0xFFFFC000  }
0x37: {  	[hbm4b:s6+s2] =	stream.linear.scatter [tilespmem:s8], [sflag:$0x2], $0x4000, $0x38;
	[tilespmem:$0x4100] =	vst v63  }
0x38: {  	_ =	swait.ge [sflag:s3], $0x4000  }
0x39: {  	[sflag:s3] =	ssyncset.done $0x0  }
0x3a: {  	[sflag:s3] =	ssyncadd.s32 $0xFFFFC000  }
0x3b: {  	_ =	sfence.sel $0x180000  }
0x3c: {  	[bflag:$0x0] =	sbarrier.arrive $0xFFFF  }
0x3d: {  	p0 =	sne.s32 s0, $0x0;
	_ =	strace $0x90000047  }
0x3e: {  	s0 =	sadd.s32 @!p0 $0x100000, s1;
	[bflag:$0x2] =	sbarrier.arrive $0xFFFF  }
0x3f: {  	[sflag:s0] =	ssyncadd.tile.s32 @!p0 $0x1;
	_ =	shalt  }
.Lfunc_end2:
_tile_overlayer_lowered:
.L_overlay_start_2:
0x40: {  	(tag) =	ssettag $0x2  }
0x41: {  	s0 =	rddreg [dreg:$0x0];
	s2 =	stileid.u32  }
0x42: {  	s1 =	rddreg [dreg:$0x1];
	p0 =	sne.s32 s2, $0x0  }
0x43: {  	s3 =	rddreg [dreg:$0x2];
	[bflag:$0x3] =	sbarrier.arrive $0xFFFF;
	s2 =	simm.s32 @!p0 $0x1C02  }
0x44: {  	[timem:s3], [sflag:s2] =	dma.local @!p0 [hbm:s0], s1  }
0x45: {  	s0 =	simm.s32 @!p0 $0x2  }
0x46: {  	_ =	swait.ge @!p0 [sflag:s0], s1  }
0x47: {  	s1 =	ssub.s32 @!p0 $0x0, s1;
	[sflag:s0] =	ssyncset.done @!p0 $0x0  }
0x48: {  	[sflag:s0] =	ssyncadd.s32 @!p0 s1  }
0x49: {  	[bflag:$0x3] =	sbarrier.arrive $0xFFFF  }
0x4a: {  	_ =	shalt  }

</sc_bundles>
